<compile_context>
chip_gen: v7x
topology: tpu7x:2x2x1
jax: 0.10.2.dev20260603
libtpu: 0.0.44.dev20260713+nightly
codegen_flags: <defaults>
</compile_context>

<pallas_src>
import jax
import jax.numpy as jnp
from jax.experimental import pallas as pl
from jax.experimental.pallas import tpu as pltpu

_L = 8
_NCHAIN = 32 // _L


def _body(ap_ref, low_ref, high_ref, fa_ref, e_ref, kmod_ref, o_ref):
    xa = ap_ref[...]
    low = low_ref[...]
    high = high_ref[...]
    scale = 2.0 / (high - low)
    x = (xa - low) * scale + 1.0
    x = jnp.clip(x, -1.0, 1.0)

    base = x * fa_ref[...]
    s0 = jnp.sin(base)
    c0 = jnp.cos(base)

    s4, c4 = s0, c0
    for _ in range(4):
        s4, c4 = 2.0 * s4 * c4, 2.0 * c4 * c4 - 1.0

    E2 = e_ref[...]

    def expand(z):
        hi = z.astype(jnp.bfloat16)
        lo = (z - hi.astype(jnp.float32)).astype(jnp.bfloat16)
        zz = jnp.concatenate([hi, lo], axis=1)
        return jax.lax.dot_general(zz, E2, (((1,), (0,)), ((), ())),
                                   preferred_element_type=jnp.float32)

    S0 = expand(s0)
    C0 = expand(c0)
    S4 = expand(s4)
    C4 = expand(c4)

    kmod = kmod_ref[...]
    k4 = jnp.where(kmod >= 4, kmod - 4, kmod)
    S = jnp.where(kmod >= 4, S4, S0)
    C = jnp.where(kmod >= 4, C4, C0)
    for j in range(1, 4):
        sd = 2.0 * S * C
        cd = 2.0 * C * C - 1.0
        act = k4 >= j
        S = jnp.where(act, sd, S)
        C = jnp.where(act, cd, C)

    o_ref[:, 0] = S
    o_ref[:, 1] = C


def kernel(action, action_low, action_high, freqs):
    B, A = action.shape
    F = freqs.shape[0]
    P = A * _NCHAIN
    BB = 512

    ap = jnp.repeat(action, _NCHAIN, axis=1)
    lowp = jnp.repeat(action_low, _NCHAIN).reshape(1, P)
    highp = jnp.repeat(action_high, _NCHAIN).reshape(1, P)
    fa = jnp.tile(freqs[::_L], (A,)).reshape(1, P)

    p_idx = jnp.arange(P)[:, None]
    l_idx = jnp.arange(A * F)[None, :]
    E1 = (l_idx // _L == p_idx).astype(jnp.bfloat16)
    E = jnp.concatenate([E1, E1], axis=0)
    kmod = (jnp.arange(A * F, dtype=jnp.int32) % _L).reshape(1, A * F)

    out = pl.pallas_call(
        _body,
        grid=(B // BB,),
        in_specs=[
            pl.BlockSpec((BB, P), lambda i: (i, 0)),
            pl.BlockSpec((1, P), lambda i: (0, 0)),
            pl.BlockSpec((1, P), lambda i: (0, 0)),
            pl.BlockSpec((1, P), lambda i: (0, 0)),
            pl.BlockSpec((2 * P, A * F), lambda i: (0, 0)),
            pl.BlockSpec((1, A * F), lambda i: (0, 0)),
        ],
        out_specs=pl.BlockSpec((BB, 2, A * F), lambda i: (i, 0, 0)),
        out_shape=jax.ShapeDtypeStruct((B, 2, A * F), jnp.float32),
        compiler_params=pltpu.CompilerParams(
            dimension_semantics=("parallel",),
        ),
    )(ap, lowp, highp, fa, E, kmod)

    return out.reshape(B, 2 * A * F)

# --- scband reference (transcript-rebuilt; emitter-appended) ---
"""Pipeline reference for scband-action-embedding-17566416241471 (READ-ONLY COPY).

The authoritative reference and input builder live on the scoring server;
editing this copy changes nothing except your own understanding.
"""

import jax, jax.numpy as jnp
import numpy as np
import math

BATCH = 16384
N_ACTIONS = 64
DIM_PER_ACTION = 64
FF_BANDS = DIM_PER_ACTION // 2  # 32


def setup_inputs(seed: int = 0) -> dict:
    key = jax.random.key(seed)
    k1, = jax.random.split(key, 1)
    action = jax.random.normal(k1, (BATCH, N_ACTIONS), dtype=jnp.float32)
    # buffers from the module (Box space with low=-1, high=1 per dim)
    action_low = -jnp.ones((N_ACTIONS,), dtype=jnp.float32)
    action_high = jnp.ones((N_ACTIONS,), dtype=jnp.float32)
    # torch.logspace(0, ff_bands-1, ff_bands, base=2.0) * pi -> 2^t * pi
    freqs = (2.0 ** jnp.arange(FF_BANDS, dtype=jnp.float32)) * math.pi
    return {"action": action, "action_low": action_low, "action_high": action_high, "freqs": freqs}


def reference(action, action_low, action_high, freqs):
    # BoxActionEmbedding.forward (single Box space; masks=None),
    # faithful to torch: sub(low).mul(2/(high-low)).add(1), clamp(-1,1)
    a = action.astype(jnp.float32)
    a = (a - action_low) * (2.0 / (action_high - action_low)) + 1.0
    # flatten(-action_space_n_dim) with n_dim=1 is a no-op on [B, A]
    a = jnp.clip(a, -1.0, 1.0)
    # unsqueeze(-1) * freqs -> [B, A, F]; flatten(-2) -> [B, A*F]
    a = (a[..., None] * freqs).reshape(a.shape[0], -1)
    # ActionEmbedding concatenates over the (single) sub-embedding
    return jnp.concatenate([jnp.sin(a), jnp.cos(a)], axis=-1)

if __name__ == "__main__":
    import jax
    _d = setup_inputs()
    print(jax.jit(kernel)(*tuple(_d.values())))

</pallas_src>

<mosaic_0001>
module attributes {stable_mosaic.version = 14 : i64} {
  func.func @_body(%arg0: i32, %arg1: memref<512x256xf32, #tpu.memory_space<vmem>>, %arg2: memref<1x256xf32, #tpu.memory_space<vmem>>, %arg3: memref<1x256xf32, #tpu.memory_space<vmem>>, %arg4: memref<1x256xf32, #tpu.memory_space<vmem>>, %arg5: memref<512x2048xbf16, #tpu.memory_space<vmem>>, %arg6: memref<1x2048xi32, #tpu.memory_space<vmem>>, %arg7: memref<512x2x2048xf32, #tpu.memory_space<vmem>>) attributes {dimension_semantics = [#tpu.dimension_semantics<parallel>], iteration_bounds = array<i64: 32>, scalar_prefetch = 0 : i64, scratch_operands = 0 : i64, tpu.core_type = #tpu.core_type<tc>, window_params = [{transform_indices = @transform_0, window_bounds = array<i64: 512, 256>}, {pipeline_mode = #tpu.pipeline_mode<synchronous>, transform_indices = @transform_1, window_bounds = array<i64: 1, 256>}, {pipeline_mode = #tpu.pipeline_mode<synchronous>, transform_indices = @transform_2, window_bounds = array<i64: 1, 256>}, {pipeline_mode = #tpu.pipeline_mode<synchronous>, transform_indices = @transform_3, window_bounds = array<i64: 1, 256>}, {pipeline_mode = #tpu.pipeline_mode<synchronous>, transform_indices = @transform_4, window_bounds = array<i64: 512, 2048>}, {pipeline_mode = #tpu.pipeline_mode<synchronous>, transform_indices = @transform_5, window_bounds = array<i64: 1, 2048>}, {transform_indices = @transform_6, window_bounds = array<i64: 512, 2, 2048>}]} {
    %get3A = arith.constant 0 : index
    %get3A_0 = arith.constant 0 : index
    %get3A_1 = vector.load %arg1[%get3A, %get3A_0] : memref<512x256xf32, #tpu.memory_space<vmem>>, vector<512x256xf32>
    %get3A_2 = arith.constant 0 : index
    %get3A_3 = arith.constant 0 : index
    %get3A_4 = vector.load %arg2[%get3A_2, %get3A_3] : memref<1x256xf32, #tpu.memory_space<vmem>>, vector<1x256xf32>
    %get3A_5 = arith.constant 0 : index
    %get3A_6 = arith.constant 0 : index
    %get3A_7 = vector.load %arg3[%get3A_5, %get3A_6] : memref<1x256xf32, #tpu.memory_space<vmem>>, vector<1x256xf32>
    %sub3A = arith.subf %get3A_7, %get3A_4 : vector<1x256xf32>
    %div3A = arith.constant 2.000000e+00 : f32
    %div3A_8 = vector.broadcast %div3A : f32 to vector<1x256xf32>
    %div3A_9 = arith.divf %div3A_8, %sub3A : vector<1x256xf32>
    %sub3A_10 = vector.broadcast %get3A_4 : vector<1x256xf32> to vector<512x256xf32>
    %sub3A_11 = arith.subf %get3A_1, %sub3A_10 : vector<512x256xf32>
    %mul3A = vector.broadcast %div3A_9 : vector<1x256xf32> to vector<512x256xf32>
    %mul3A_12 = arith.mulf %sub3A_11, %mul3A : vector<512x256xf32>
    %add3A = arith.constant 1.000000e+00 : f32
    %add3A_13 = vector.broadcast %add3A : f32 to vector<512x256xf32>
    %add3A_14 = arith.addf %mul3A_12, %add3A_13 : vector<512x256xf32>
    %jit3A = arith.constant -1.000000e+00 : f32
    %jit3A_15 = arith.constant 1.000000e+00 : f32
    %max3A = vector.broadcast %jit3A : f32 to vector<512x256xf32>
    %max3A_16 = arith.maximumf %max3A, %add3A_14 : vector<512x256xf32>
    %min3A = vector.broadcast %jit3A_15 : f32 to vector<512x256xf32>
    %min3A_17 = arith.minimumf %min3A, %max3A_16 : vector<512x256xf32>
    %get3A_18 = arith.constant 0 : index
    %get3A_19 = arith.constant 0 : index
    %get3A_20 = vector.load %arg4[%get3A_18, %get3A_19] : memref<1x256xf32, #tpu.memory_space<vmem>>, vector<1x256xf32>
    %mul3A_21 = vector.broadcast %get3A_20 : vector<1x256xf32> to vector<512x256xf32>
    %mul3A_22 = arith.mulf %min3A_17, %mul3A_21 : vector<512x256xf32>
    %sin3A = math.sin %mul3A_22 : vector<512x256xf32>
    %cos3A = math.cos %mul3A_22 : vector<512x256xf32>
    %mul3A_23 = arith.constant 2.000000e+00 : f32
    %mul3A_24 = vector.broadcast %mul3A_23 : f32 to vector<512x256xf32>
    %mul3A_25 = arith.mulf %mul3A_24, %sin3A : vector<512x256xf32>
    %mul3A_26 = arith.mulf %mul3A_25, %cos3A : vector<512x256xf32>
    %mul3A_27 = arith.constant 2.000000e+00 : f32
    %mul3A_28 = vector.broadcast %mul3A_27 : f32 to vector<512x256xf32>
    %mul3A_29 = arith.mulf %mul3A_28, %cos3A : vector<512x256xf32>
    %mul3A_30 = arith.mulf %mul3A_29, %cos3A : vector<512x256xf32>
    %sub3A_31 = arith.constant 1.000000e+00 : f32
    %sub3A_32 = vector.broadcast %sub3A_31 : f32 to vector<512x256xf32>
    %sub3A_33 = arith.subf %mul3A_30, %sub3A_32 : vector<512x256xf32>
    %mul3A_34 = arith.constant 2.000000e+00 : f32
    %mul3A_35 = vector.broadcast %mul3A_34 : f32 to vector<512x256xf32>
    %mul3A_36 = arith.mulf %mul3A_35, %mul3A_26 : vector<512x256xf32>
    %mul3A_37 = arith.mulf %mul3A_36, %sub3A_33 : vector<512x256xf32>
    %mul3A_38 = arith.constant 2.000000e+00 : f32
    %mul3A_39 = vector.broadcast %mul3A_38 : f32 to vector<512x256xf32>
    %mul3A_40 = arith.mulf %mul3A_39, %sub3A_33 : vector<512x256xf32>
    %mul3A_41 = arith.mulf %mul3A_40, %sub3A_33 : vector<512x256xf32>
    %sub3A_42 = arith.constant 1.000000e+00 : f32
    %sub3A_43 = vector.broadcast %sub3A_42 : f32 to vector<512x256xf32>
    %sub3A_44 = arith.subf %mul3A_41, %sub3A_43 : vector<512x256xf32>
    %mul3A_45 = arith.constant 2.000000e+00 : f32
    %mul3A_46 = vector.broadcast %mul3A_45 : f32 to vector<512x256xf32>
    %mul3A_47 = arith.mulf %mul3A_46, %mul3A_37 : vector<512x256xf32>
    %mul3A_48 = arith.mulf %mul3A_47, %sub3A_44 : vector<512x256xf32>
    %mul3A_49 = arith.constant 2.000000e+00 : f32
    %mul3A_50 = vector.broadcast %mul3A_49 : f32 to vector<512x256xf32>
    %mul3A_51 = arith.mulf %mul3A_50, %sub3A_44 : vector<512x256xf32>
    %mul3A_52 = arith.mulf %mul3A_51, %sub3A_44 : vector<512x256xf32>
    %sub3A_53 = arith.constant 1.000000e+00 : f32
    %sub3A_54 = vector.broadcast %sub3A_53 : f32 to vector<512x256xf32>
    %sub3A_55 = arith.subf %mul3A_52, %sub3A_54 : vector<512x256xf32>
    %mul3A_56 = arith.constant 2.000000e+00 : f32
    %mul3A_57 = vector.broadcast %mul3A_56 : f32 to vector<512x256xf32>
    %mul3A_58 = arith.mulf %mul3A_57, %mul3A_48 : vector<512x256xf32>
    %mul3A_59 = arith.mulf %mul3A_58, %sub3A_55 : vector<512x256xf32>
    %mul3A_60 = arith.constant 2.000000e+00 : f32
    %mul3A_61 = vector.broadcast %mul3A_60 : f32 to vector<512x256xf32>
    %mul3A_62 = arith.mulf %mul3A_61, %sub3A_55 : vector<512x256xf32>
    %mul3A_63 = arith.mulf %mul3A_62, %sub3A_55 : vector<512x256xf32>
    %sub3A_64 = arith.constant 1.000000e+00 : f32
    %sub3A_65 = vector.broadcast %sub3A_64 : f32 to vector<512x256xf32>
    %sub3A_66 = arith.subf %mul3A_63, %sub3A_65 : vector<512x256xf32>
    %get3A_67 = arith.constant 0 : index
    %get3A_68 = arith.constant 0 : index
    %get3A_69 = vector.load %arg5[%get3A_67, %get3A_68] : memref<512x2048xbf16, #tpu.memory_space<vmem>>, vector<512x2048xbf16>
    %convert_element_type3A = arith.truncf %sin3A : vector<512x256xf32> to vector<512x256xbf16>
    %convert_element_type3A_70 = arith.extf %convert_element_type3A : vector<512x256xbf16> to vector<512x256xf32>
    %sub3A_71 = arith.subf %sin3A, %convert_element_type3A_70 : vector<512x256xf32>
    %convert_element_type3A_72 = arith.truncf %sub3A_71 : vector<512x256xf32> to vector<512x256xbf16>
    %concatenate3A = tpu.concatenate %convert_element_type3A, %convert_element_type3A_72 in 1 : vector<512x256xbf16>, vector<512x256xbf16> -> vector<512x512xbf16>
    %dot_general3A = arith.constant dense<0.000000e+00> : vector<512x2048xf32>
    %dot_general3A_73 = tpu.matmul %concatenate3A, %get3A_69, %dot_general3A {dimension_numbers = #tpu.dot_dimension_numbers<[1], [0], [0], [1], [0, 0, 1, 1], [], []>, transpose_lhs_hint = false} : vector<512x512xbf16>, vector<512x2048xbf16>, vector<512x2048xf32> -> vector<512x2048xf32>
    %convert_element_type3A_74 = arith.truncf %cos3A : vector<512x256xf32> to vector<512x256xbf16>
    %convert_element_type3A_75 = arith.extf %convert_element_type3A_74 : vector<512x256xbf16> to vector<512x256xf32>
    %sub3A_76 = arith.subf %cos3A, %convert_element_type3A_75 : vector<512x256xf32>
    %convert_element_type3A_77 = arith.truncf %sub3A_76 : vector<512x256xf32> to vector<512x256xbf16>
    %concatenate3A_78 = tpu.concatenate %convert_element_type3A_74, %convert_element_type3A_77 in 1 : vector<512x256xbf16>, vector<512x256xbf16> -> vector<512x512xbf16>
    %dot_general3A_79 = arith.constant dense<0.000000e+00> : vector<512x2048xf32>
    %dot_general3A_80 = tpu.matmul %concatenate3A_78, %get3A_69, %dot_general3A_79 {dimension_numbers = #tpu.dot_dimension_numbers<[1], [0], [0], [1], [0, 0, 1, 1], [], []>, transpose_lhs_hint = false} : vector<512x512xbf16>, vector<512x2048xbf16>, vector<512x2048xf32> -> vector<512x2048xf32>
    %convert_element_type3A_81 = arith.truncf %mul3A_59 : vector<512x256xf32> to vector<512x256xbf16>
    %convert_element_type3A_82 = arith.extf %convert_element_type3A_81 : vector<512x256xbf16> to vector<512x256xf32>
    %sub3A_83 = arith.subf %mul3A_59, %convert_element_type3A_82 : vector<512x256xf32>
    %convert_element_type3A_84 = arith.truncf %sub3A_83 : vector<512x256xf32> to vector<512x256xbf16>
    %concatenate3A_85 = tpu.concatenate %convert_element_type3A_81, %convert_element_type3A_84 in 1 : vector<512x256xbf16>, vector<512x256xbf16> -> vector<512x512xbf16>
    %dot_general3A_86 = arith.constant dense<0.000000e+00> : vector<512x2048xf32>
    %dot_general3A_87 = tpu.matmul %concatenate3A_85, %get3A_69, %dot_general3A_86 {dimension_numbers = #tpu.dot_dimension_numbers<[1], [0], [0], [1], [0, 0, 1, 1], [], []>, transpose_lhs_hint = false} : vector<512x512xbf16>, vector<512x2048xbf16>, vector<512x2048xf32> -> vector<512x2048xf32>
    %convert_element_type3A_88 = arith.truncf %sub3A_66 : vector<512x256xf32> to vector<512x256xbf16>
    %convert_element_type3A_89 = arith.extf %convert_element_type3A_88 : vector<512x256xbf16> to vector<512x256xf32>
    %sub3A_90 = arith.subf %sub3A_66, %convert_element_type3A_89 : vector<512x256xf32>
    %convert_element_type3A_91 = arith.truncf %sub3A_90 : vector<512x256xf32> to vector<512x256xbf16>
    %concatenate3A_92 = tpu.concatenate %convert_element_type3A_88, %convert_element_type3A_91 in 1 : vector<512x256xbf16>, vector<512x256xbf16> -> vector<512x512xbf16>
    %dot_general3A_93 = arith.constant dense<0.000000e+00> : vector<512x2048xf32>
    %dot_general3A_94 = tpu.matmul %concatenate3A_92, %get3A_69, %dot_general3A_93 {dimension_numbers = #tpu.dot_dimension_numbers<[1], [0], [0], [1], [0, 0, 1, 1], [], []>, transpose_lhs_hint = false} : vector<512x512xbf16>, vector<512x2048xbf16>, vector<512x2048xf32> -> vector<512x2048xf32>
    %get3A_95 = arith.constant 0 : index
    %get3A_96 = arith.constant 0 : index
    %get3A_97 = vector.load %arg6[%get3A_95, %get3A_96] : memref<1x2048xi32, #tpu.memory_space<vmem>>, vector<1x2048xi32>
    %ge3A = arith.constant 4 : i32
    %ge3A_98 = vector.broadcast %ge3A : i32 to vector<1x2048xi32>
    %ge3A_99 = arith.cmpi sge, %get3A_97, %ge3A_98 : vector<1x2048xi32>
    %sub3A_100 = arith.constant 4 : i32
    %sub3A_101 = vector.broadcast %sub3A_100 : i32 to vector<1x2048xi32>
    %sub3A_102 = arith.subi %get3A_97, %sub3A_101 : vector<1x2048xi32>
    %select_n3A = arith.select %ge3A_99, %sub3A_102, %get3A_97 : vector<1x2048xi1>, vector<1x2048xi32>
    %ge3A_103 = arith.constant 4 : i32
    %ge3A_104 = vector.broadcast %ge3A_103 : i32 to vector<1x2048xi32>
    %ge3A_105 = arith.cmpi sge, %get3A_97, %ge3A_104 : vector<1x2048xi32>
    %broadcast_in_dim3A = vector.shape_cast %ge3A_105 : vector<1x2048xi1> to vector<1x2048xi1>
    %broadcast_in_dim3A_106 = vector.broadcast %broadcast_in_dim3A : vector<1x2048xi1> to vector<512x2048xi1>
    %select_n3A_107 = arith.select %broadcast_in_dim3A_106, %dot_general3A_87, %dot_general3A_73 : vector<512x2048xi1>, vector<512x2048xf32>
    %ge3A_108 = arith.constant 4 : i32
    %ge3A_109 = vector.broadcast %ge3A_108 : i32 to vector<1x2048xi32>
    %ge3A_110 = arith.cmpi sge, %get3A_97, %ge3A_109 : vector<1x2048xi32>
    %broadcast_in_dim3A_111 = vector.shape_cast %ge3A_110 : vector<1x2048xi1> to vector<1x2048xi1>
    %broadcast_in_dim3A_112 = vector.broadcast %broadcast_in_dim3A_111 : vector<1x2048xi1> to vector<512x2048xi1>
    %select_n3A_113 = arith.select %broadcast_in_dim3A_112, %dot_general3A_94, %dot_general3A_80 : vector<512x2048xi1>, vector<512x2048xf32>
    %mul3A_114 = arith.constant 2.000000e+00 : f32
    %mul3A_115 = vector.broadcast %mul3A_114 : f32 to vector<512x2048xf32>
    %mul3A_116 = arith.mulf %mul3A_115, %select_n3A_107 : vector<512x2048xf32>
    %mul3A_117 = arith.mulf %mul3A_116, %select_n3A_113 : vector<512x2048xf32>
    %mul3A_118 = arith.constant 2.000000e+00 : f32
    %mul3A_119 = vector.broadcast %mul3A_118 : f32 to vector<512x2048xf32>
    %mul3A_120 = arith.mulf %mul3A_119, %select_n3A_113 : vector<512x2048xf32>
    %mul3A_121 = arith.mulf %mul3A_120, %select_n3A_113 : vector<512x2048xf32>
    %sub3A_122 = arith.constant 1.000000e+00 : f32
    %sub3A_123 = vector.broadcast %sub3A_122 : f32 to vector<512x2048xf32>
    %sub3A_124 = arith.subf %mul3A_121, %sub3A_123 : vector<512x2048xf32>
    %ge3A_125 = arith.constant 1 : i32
    %ge3A_126 = vector.broadcast %ge3A_125 : i32 to vector<1x2048xi32>
    %ge3A_127 = arith.cmpi sge, %select_n3A, %ge3A_126 : vector<1x2048xi32>
    %broadcast_in_dim3A_128 = vector.shape_cast %ge3A_127 : vector<1x2048xi1> to vector<1x2048xi1>
    %broadcast_in_dim3A_129 = vector.broadcast %broadcast_in_dim3A_128 : vector<1x2048xi1> to vector<512x2048xi1>
    %select_n3A_130 = arith.select %broadcast_in_dim3A_129, %mul3A_117, %select_n3A_107 : vector<512x2048xi1>, vector<512x2048xf32>
    %broadcast_in_dim3A_131 = vector.shape_cast %ge3A_127 : vector<1x2048xi1> to vector<1x2048xi1>
    %broadcast_in_dim3A_132 = vector.broadcast %broadcast_in_dim3A_131 : vector<1x2048xi1> to vector<512x2048xi1>
    %select_n3A_133 = arith.select %broadcast_in_dim3A_132, %sub3A_124, %select_n3A_113 : vector<512x2048xi1>, vector<512x2048xf32>
    %mul3A_134 = arith.constant 2.000000e+00 : f32
    %mul3A_135 = vector.broadcast %mul3A_134 : f32 to vector<512x2048xf32>
    %mul3A_136 = arith.mulf %mul3A_135, %select_n3A_130 : vector<512x2048xf32>
    %mul3A_137 = arith.mulf %mul3A_136, %select_n3A_133 : vector<512x2048xf32>
    %mul3A_138 = arith.constant 2.000000e+00 : f32
    %mul3A_139 = vector.broadcast %mul3A_138 : f32 to vector<512x2048xf32>
    %mul3A_140 = arith.mulf %mul3A_139, %select_n3A_133 : vector<512x2048xf32>
    %mul3A_141 = arith.mulf %mul3A_140, %select_n3A_133 : vector<512x2048xf32>
    %sub3A_142 = arith.constant 1.000000e+00 : f32
    %sub3A_143 = vector.broadcast %sub3A_142 : f32 to vector<512x2048xf32>
    %sub3A_144 = arith.subf %mul3A_141, %sub3A_143 : vector<512x2048xf32>
    %ge3A_145 = arith.constant 2 : i32
    %ge3A_146 = vector.broadcast %ge3A_145 : i32 to vector<1x2048xi32>
    %ge3A_147 = arith.cmpi sge, %select_n3A, %ge3A_146 : vector<1x2048xi32>
    %broadcast_in_dim3A_148 = vector.shape_cast %ge3A_147 : vector<1x2048xi1> to vector<1x2048xi1>
    %broadcast_in_dim3A_149 = vector.broadcast %broadcast_in_dim3A_148 : vector<1x2048xi1> to vector<512x2048xi1>
    %select_n3A_150 = arith.select %broadcast_in_dim3A_149, %mul3A_137, %select_n3A_130 : vector<512x2048xi1>, vector<512x2048xf32>
    %broadcast_in_dim3A_151 = vector.shape_cast %ge3A_147 : vector<1x2048xi1> to vector<1x2048xi1>
    %broadcast_in_dim3A_152 = vector.broadcast %broadcast_in_dim3A_151 : vector<1x2048xi1> to vector<512x2048xi1>
    %select_n3A_153 = arith.select %broadcast_in_dim3A_152, %sub3A_144, %select_n3A_133 : vector<512x2048xi1>, vector<512x2048xf32>
    %mul3A_154 = arith.constant 2.000000e+00 : f32
    %mul3A_155 = vector.broadcast %mul3A_154 : f32 to vector<512x2048xf32>
    %mul3A_156 = arith.mulf %mul3A_155, %select_n3A_150 : vector<512x2048xf32>
    %mul3A_157 = arith.mulf %mul3A_156, %select_n3A_153 : vector<512x2048xf32>
    %mul3A_158 = arith.constant 2.000000e+00 : f32
    %mul3A_159 = vector.broadcast %mul3A_158 : f32 to vector<512x2048xf32>
    %mul3A_160 = arith.mulf %mul3A_159, %select_n3A_153 : vector<512x2048xf32>
    %mul3A_161 = arith.mulf %mul3A_160, %select_n3A_153 : vector<512x2048xf32>
    %sub3A_162 = arith.constant 1.000000e+00 : f32
    %sub3A_163 = vector.broadcast %sub3A_162 : f32 to vector<512x2048xf32>
    %sub3A_164 = arith.subf %mul3A_161, %sub3A_163 : vector<512x2048xf32>
    %ge3A_165 = arith.constant 3 : i32
    %ge3A_166 = vector.broadcast %ge3A_165 : i32 to vector<1x2048xi32>
    %ge3A_167 = arith.cmpi sge, %select_n3A, %ge3A_166 : vector<1x2048xi32>
    %broadcast_in_dim3A_168 = vector.shape_cast %ge3A_167 : vector<1x2048xi1> to vector<1x2048xi1>
    %broadcast_in_dim3A_169 = vector.broadcast %broadcast_in_dim3A_168 : vector<1x2048xi1> to vector<512x2048xi1>
    %select_n3A_170 = arith.select %broadcast_in_dim3A_169, %mul3A_157, %select_n3A_150 : vector<512x2048xi1>, vector<512x2048xf32>
    %broadcast_in_dim3A_171 = vector.shape_cast %ge3A_167 : vector<1x2048xi1> to vector<1x2048xi1>
    %broadcast_in_dim3A_172 = vector.broadcast %broadcast_in_dim3A_171 : vector<1x2048xi1> to vector<512x2048xi1>
    %select_n3A_173 = arith.select %broadcast_in_dim3A_172, %sub3A_164, %select_n3A_153 : vector<512x2048xi1>, vector<512x2048xf32>
    %swap3A = arith.constant 0 : index
    %swap3A_174 = arith.constant 0 : index
    %swap3A_175 = arith.constant 0 : index
    %swap3A_176 = vector.load %arg7[%swap3A, %swap3A_174, %swap3A_175] : memref<512x2x2048xf32, #tpu.memory_space<vmem>>, vector<512x1x2048xf32>
    %swap3A_177 = vector.shape_cast %swap3A_176 : vector<512x1x2048xf32> to vector<512x2048xf32>
    %swap3A_178 = vector.shape_cast %select_n3A_170 : vector<512x2048xf32> to vector<512x1x2048xf32>
    tpu.vector_store %arg7[%swap3A, %swap3A_174, %swap3A_175], %swap3A_178 {strides = array<i32>} : memref<512x2x2048xf32, #tpu.memory_space<vmem>>, vector<512x1x2048xf32>,
    %swap3A_179 = arith.constant 0 : index
    %swap3A_180 = arith.constant 1 : index
    %swap3A_181 = arith.constant 0 : index
    %swap3A_182 = vector.load %arg7[%swap3A_179, %swap3A_180, %swap3A_181] : memref<512x2x2048xf32, #tpu.memory_space<vmem>>, vector<512x1x2048xf32>
    %swap3A_183 = vector.shape_cast %swap3A_182 : vector<512x1x2048xf32> to vector<512x2048xf32>
    %swap3A_184 = vector.shape_cast %select_n3A_173 : vector<512x2048xf32> to vector<512x1x2048xf32>
    tpu.vector_store %arg7[%swap3A_179, %swap3A_180, %swap3A_181], %swap3A_184 {strides = array<i32>} : memref<512x2x2048xf32, #tpu.memory_space<vmem>>, vector<512x1x2048xf32>,
    return
  }
  func.func @transform_0(%arg0: i32) -> (i32, i32) {
    %c0_i32 = arith.constant 0 : i32
    %c0_i32_0 = arith.constant 0 : i32
    return %arg0, %c0_i32 : i32, i32
  }
  func.func @transform_1(%arg0: i32) -> (i32, i32) {
    %c0_i32 = arith.constant 0 : i32
    %c0_i32_0 = arith.constant 0 : i32
    %c0_i32_1 = arith.constant 0 : i32
    return %c0_i32, %c0_i32_0 : i32, i32
  }
  func.func @transform_2(%arg0: i32) -> (i32, i32) {
    %c0_i32 = arith.constant 0 : i32
    %c0_i32_0 = arith.constant 0 : i32
    %c0_i32_1 = arith.constant 0 : i32
    return %c0_i32, %c0_i32_0 : i32, i32
  }
  func.func @transform_3(%arg0: i32) -> (i32, i32) {
    %c0_i32 = arith.constant 0 : i32
    %c0_i32_0 = arith.constant 0 : i32
    %c0_i32_1 = arith.constant 0 : i32
    return %c0_i32, %c0_i32_0 : i32, i32
  }
  func.func @transform_4(%arg0: i32) -> (i32, i32) {
    %c0_i32 = arith.constant 0 : i32
    %c0_i32_0 = arith.constant 0 : i32
    %c0_i32_1 = arith.constant 0 : i32
    return %c0_i32, %c0_i32_0 : i32, i32
  }
  func.func @transform_5(%arg0: i32) -> (i32, i32) {
    %c0_i32 = arith.constant 0 : i32
    %c0_i32_0 = arith.constant 0 : i32
    %c0_i32_1 = arith.constant 0 : i32
    return %c0_i32, %c0_i32_0 : i32, i32
  }
  func.func @transform_6(%arg0: i32) -> (i32, i32, i32) {
    %c0_i32 = arith.constant 0 : i32
    %c0_i32_0 = arith.constant 0 : i32
    %c0_i32_1 = arith.constant 0 : i32
    return %arg0, %c0_i32, %c0_i32_0 : i32, i32, i32
  }
}

</mosaic_0001>

<sc_bundles>
// kernel: sparse-core-data-format-call.cloned.1.call-start
scs
called_computation_lowered:
.L_overlay_start_0:
0x0: {  	s2 =	sld [smem:$0x3FD9]  }
0x1: {  	s3 =	sld [smem:$0x3FFE];
	_ =	sdelay $0x1  }
0x2: {  	s1 =	srdreg.scid  }
0x3: {  	s0 =	sand.u32 $0x1, s1  }
0x4: {  	s18 =	sshll.u32 s0, $0xA;
	s2 =	sadd.s32 s3, s2  }
0x5: {  	s2 =	sadd.s32 s2, s18  }
0x6: {  	[smem:$0x3FC4] =	sst s2  }
0x7: {  	_ = 	snop  }
0x8: {  	s2 =	sld [smem:$0x3FD0];
	(tm) =	ssettm $0x1  }
0x9: {  	s19 =	sld [smem:$0x3FFB];
	_ =	sdelay $0x3  }
0xa: {  	_ =	strace s19  }
0xb: {  	s3 =	sld [smem:$0x3FFC];
	_ =	sdelay $0x3  }
0xc: {  	_ =	strace s3  }
0xd: {  	s3 =	sld [smem:$0x3FFD];
	_ =	sdelay $0x3  }
0xe: {  	_ =	strace s3  }
0xf: {  	_ =	strace $0x8FFFFFFF  }
0x10: {  	s20 =	sld [smem:$0x3FDB];
	_ =	sdelay $0x1  }
0x11: {  	s4 =	simm.s32 $_scs_section_size  }
0x12: {  	s5 =	simm.s32 $_size__tile_overlayer_lowered;
	s6 =	simm.s32 $_tile_overlayer_lowered  }
0x13: {  	s23 =	simm.s32 $0x1BFF;
	s22 =	sshll.u32 s6, $0x1;
	s3 =	sadd.s32 s4, s20  }
0x14: {  	s7 =	simm.s32 $0x0;
	s21 =	sshll.u32 s5, $0x1;
	s5 =	sadd.s32 s22, s3  }
0x15: {  	[timem:s7], [sflag:s23] =	dma.local [hbm:s5], s21  }
0x16: {  	_ =	swait.ge [sflag:s23], s21  }
0x17: {  	s4 =	ssub.s32 $0x0, s21;
	[sflag:s23] =	ssyncset.done $0x0  }
0x18: {  	[sflag:s23] =	ssyncadd.s32 s4;
	_ =	sdelay $0x1  }
0x19: {  	s24 =	simm.s32 $0x1B8B  }
0x1a: {  	_ =	swait.ge [sflag:s24], $0x1  }
0x1b: {  	[sflag:s24] =	ssyncset.done $0x0  }
0x1c: {  	s26 =	simm.s32 $0x1B8E;
	s25 =	sld [smem:$0x3FFE];
	[sflag:s24] =	ssyncadd.s32 $0xFFFFFFFF  }
0x1d: {  	s27 =	simm.s32 $execute0_lowered;
	[smem:$0x3FD2] =	sst s26  }
0x1e: {  	s5 =	sshll.u32 s27, $0x1;
	_ =	strace $0x80000046;
	[dreg:$0x1] =	wrdreg $0xFFFFFFFF  }
0x1f: {  	s28 =	simm.s32 $_size_execute0_lowered;
	s3 =	sadd.s32 s3, s5;
	[dreg:$0x0] =	wrdreg $0x0  }
0x20: {  	s5 =	sshll.u32 s28, $0x1;
	[dreg:$0x2] =	wrdreg s3  }
0x21: {  	[dreg:$0x3] =	wrdreg s5  }
0x22: {  	[dreg:$0x4] =	wrdreg $0xC0  }
0x23: {  	_ =	task [dreg:s7], $0x5FFFF  }
0x24: {  	[dreg:$0x1] =	wrdreg $0xFFFFFFFF  }
0x25: {  	[dreg:$0x0] =	wrdreg $0x60  }
0x26: {  	[dreg:$0x2] =	wrdreg s25  }
0x27: {  	[dreg:$0x3] =	wrdreg s2  }
0x28: {  	[dreg:$0x4] =	wrdreg $0x9  }
0x29: {  	_ =	task.clear_ibuf [dreg:s7], $0x5FFFF;
	_ =	strace $0x90000046  }
0x2a: {  	s29 =	simm.s32 $0x9;
	_ =	strace $0x80000048  }
0x2b: {  	_ =	swait.ge [sflag:s29], $0x1  }
0x2c: {  	[sflag:s29] =	ssyncadd.s32 $0xFFFFFFFF  }
0x2d: {  	_ =	strace $0x90000048  }
0x2e: {  	_ =	sfence  }
0x2f: {  	s30 =	sld [smem:$0x0];
	_ =	sdelay $0x2  }
0x30: {  	s31 =	sshll.u32 s1, $0xD;
	s1 =	sshrl.u32 s1, $0x2  }
0x31: {  	s3 =	sand.u32 $0x4000, s31;
	s1 =	sadd.s32 s1, s30  }
0x32: {  	s0 =	sor.u32 s3, s0;
	s1 =	sshll.u32 s1, $0x11  }
0x33: {  	s0 =	sor.u32 s1, s0  }
0x34: {  	s0 =	sadd.s32 $0x8F2B, s0  }
0x35: {  	[sflag:s0] =	ssyncadd.remote.s32 $0x1  }
0x36: {  	_ =	sfence.sel $0xFFFF  }
0x37: {  	[dreg:$0x0] =	wrdreg $0xFFFFFFFF;
	(pc) =	sbr.abs _section_cstart, $3  }
0x38: {  	[dreg:$0x1] =	wrdreg $0xFFFFFFFF  }
0x39: {  	_ =	task.clear_ibuf [dreg:s7], $0x2FFFF;
	_ =	strace $0x9FFFFFFF  }
0x3a: {  	(tm) =	ssettm $0x7FFFFFFF  }
0x3b: {  	_ =	shalt  }
tec
execute0_lowered:
.L_overlay_start_1:
0x0: {  	(tag) =	ssettag $0x1  }
0x1: {  	s4 =	rddreg [dreg:$0x0]  }
0x2: {  	s2 =	rddreg [dreg:$0x1]  }
0x3: {  	s0 =	rddreg [dreg:$0x2];
	_ =	strace $0x80000047  }
0x4: {  	s3 =	srdreg.scid;
	s1 =	stileid.u32;
	s6 =	simm.s32 $0x2  }
0x5: {  	s12 =	simm.s32 $0x0;
	s13 =	simm.s32 $0x0;
	s15 =	simm.s32 $0x0  }
.Ltmp0:
0x6: {  	s14 =	simm.s32 $0x0;
	s8 =	simm.s32 $0x0;
	(pc) =	sbr.rel .LBB1_1-.Ltmp0, $4  }
0x7: {  	s9 =	simm.s32 $0x0;
	s10 =	simm.s32 $0x0;
	s5 =	sshll.u32 s3, $0x4  }
0x8: {  	s7 =	simm.s32 $0x0;
	s3 =	simm.s32 $0x1;
	s5 =	sand.u32 $0x10, s5  }
0x9: {  	s4 =	sadd.s32 $0x400, s4;
	[sflag:s3] =	ssyncpa.u1 $0x0;
	s5 =	sor.u32 s1, s5  }
0xa: {  	[sflag:s6] =	ssyncpa.u1 $0x0;
	s6 =	simm.s32 $0x4000;
	s11 =	smov.u32 s5  }
.LBB1_9:
0xb: {  	s16 =	sadd.s32 $0x400, s8  }
0xc: {  	s12 =	sadd.s32 $0x2, s9;
	s17 =	smov.u32 s9;
	p1 =	sgt.s32 s16, $0x7FF  }
0xd: {  	s17 =	smov.u32 @p1 s12  }
0xe: {  	s18 =	smov.u32 s10;
	s12 =	sadd.s32 $0x8, s10;
	p2 =	sgt.s32 s17, $0x1  }
0xf: {  	s18 =	smov.u32 @p2 s12  }
0x10: {  	s19 =	smov.u32 s11;
	s12 =	sadd.s32 $0x20, s11;
	p3 =	sgt.s32 s18, $0x7  }
0x11: {  	p0 =	slt.u32 s7, $0x2;
	s19 =	smov.u32 @p3 s12  }
0x12: {  	s7 =	sadd.s32 $0x1, s7;
	s16 =	simm.s32 @p1 $0x0;
	p1 =	sgt.s32 s19, $0x7FF  }
0x13: {  	s20 =	simm.s32 @!p0 $0x2;
	s19 =	smov.u32 @p1 s5;
	p1 =	sne.s32 s7, $0x82  }
.Ltmp1:
0x14: {  	_ =	swait.ge @!p0 [sflag:s20], $0x4000;
	(pc) =	sbr.rel @!p1 .LBB1_10-.Ltmp1, $4  }
0x15: {  	s13 =	smov.u32 s9;
	s15 =	smov.u32 s10;
	[sflag:s20] =	ssyncset.done @!p0 $0x0  }
0x16: {  	s14 =	smov.u32 s11;
	s17 =	simm.s32 @p2 $0x0;
	[sflag:s20] =	ssyncadd.s32 @!p0 $0xFFFFC000  }
0x17: {  	s9 =	smov.u32 s17;
	s18 =	simm.s32 @p3 $0x0;
	s12 =	smov.u32 s8  }
0x18: {  	s8 =	smov.u32 s16;
	s10 =	smov.u32 s18;
	s11 =	smov.u32 s19  }
.LBB1_1:
0x19: {  	p0 =	sgt.u32 s7, $0x7F  }
0x1a: {  	s16 =	sxor.u32 @!p0 $0xFFFFFFFF, s7;
	s17 =	sshll.u32 @!p0 s9, $0x7  }
0x1b: {  	s18 =	sand.u32 @!p0 $0x78, s8;
	s19 =	sshll.u32 @!p0 s8, $0x1;
	s20 =	sshrl.u32 @!p0 s8, $0x2  }
0x1c: {  	s17 =	sand.u32 @!p0 $0x80, s17;
	s16 =	sshll.u32 @!p0 s16, $0xE;
	s19 =	sand.u32 @!p0 $0x700, s19  }
0x1d: {  	s20 =	sand.u32 @!p0 $0x100, s20;
	s17 =	sor.u32 @!p0 s17, s18;
	s18 =	sshll.u32 @!p0 s11, $0xC  }
0x1e: {  	s17 =	sor.u32 @!p0 s19, s17;
	s19 =	sshll.u32 @!p0 s10, $0x9;
	s18 =	sadd.s32 @!p0 s4, s18  }
0x1f: {  	s16 =	sand.u32 @!p0 $0x4000, s16;
	s18 =	sadd.s32 @!p0 s19, s18;
	s19 =	sand.u32 @!p0 $0x7, s8  }
0x20: {  	s17 =	sshrl.u32 @!p0 s17, $0x3;
	s18 =	sadd.s32 @!p0 s20, s18;
	s19 =	sshll.u32 @!p0 s19, $0x12  }
0x21: {  	s17 =	sadd.s32 @!p0 s17, s18;
	s18 =	sor.u32 @!p0 $0x800, s19;
	s19 =	simm.s32 @!p0 $0x1000  }
0x22: {  	[tilespmem:s16], [sflag:$0x1] =	stream.strided.gather @!p0 [hbm4b:s17+s18], $0x4000, s19, s18, $0x38;
	[tilespmem:$0x10000] =	vst v63  }
0x23: {  	p0 =	seq.s32 s7, $0x0  }
0x24: {  	p1 =	seq.s32 @!p0 s7, $0x81  }
0x25: {  	p0 =	por p0, p1  }
.Ltmp2:
0x26: {  	_ = 	snop;
	(pc) =	sbr.rel @p0 .LBB1_9-.Ltmp2, $1  }
0x27: {  	_ =	sdelay $0x3  }
0x28: {  	_ =	swait.ge [sflag:s3], $0x4000;
	s16 =	sshll.u32 s7, $0xE  }
0x29: {  	[sflag:s3] =	ssyncset.done $0x0;
	s17 =	sand.u32 $0x4000, s16  }
0x2a: {  	s18 =	simm.s32 $0x0;
	[sflag:s3] =	ssyncadd.s32 $0xFFFFC000;
	s16 =	sor.u32 $0x8000, s17  }
.LBB1_3:
0x2b: {  	s21 =	sshll.u32 s18, $0xB  }
0x2c: {  	s22 =	sshll.u32 s18, $0x7;
	p1 =	por $0x1, $0x1;
	v1 =	vmov s21  }
0x2d: {  	s19 =	sadd.s32 s21, s17;
	s20 =	sadd.s32 s22, s16;
	v0 =	vmov s22;
	s21 =	simm.s32 $0x0  }
.LBB1_4:
0x2e: {  	s22 =	sshll.u32 s21, $0x7  }
0x2f: {  	s25 =	sadd.s32 s22, s19  }
0x30: {  	v2 =	vmov s25  }
0x31: {  	s24 =	sshll.u32 s21, $0xD;
	p0 =	por p1, p1;
	s23 =	simm.s32 $0x0  }
0x32: {  	p1 =	por $0x1, $0x1;
	s21 =	sadd.s32 s24, s16;
	s22 =	sadd.s32 s22, s17;
	v3 =	vmov s24  }
.LBB1_5:
0x33: {  	s23 =	sshll.u32 s23, $0x3  }
0x34: {  	s24 =	sshra.s32 s23, $0x2  }
0x35: {  	v4 =	vld.idx.msk [tilespmem:v2+s24+$0x0 ss:$0x1], $0xffff;
	s24 =	sadd.s32 s24, s22  }
0x36: {  	v5 =	vld.idx.msk [tilespmem:v1+s24+$0x10 ss:$0x1], $0xffff  }
0x37: {  	v6 =	vld.idx.msk [tilespmem:v1+s24+$0x20 ss:$0x1], $0xffff  }
0x38: {  	s23 =	sand.u32 $0x3FFFFFF8, s23;
	v7 =	vld.idx.msk [tilespmem:v1+s24+$0x30 ss:$0x1], $0xffff  }
0x39: {  	s25 =	sadd.s32 s23, s21;
	v8 =	vld.idx.msk [tilespmem:v1+s24+$0x40 ss:$0x1], $0xffff  }
0x3a: {  	s23 =	sadd.s32 s23, s20;
	[tilespmem:v0+s25+$0x0 ss:$0x1] =	vst.idx.msk $0xffff, v4;
	v4 =	vld.idx.msk [tilespmem:v1+s24+$0x50 ss:$0x1], $0xffff  }
0x3b: {  	[tilespmem:v3+s23+$0x10 ss:$0x1] =	vst.idx.msk $0xffff, v5;
	v5 =	vld.idx.msk [tilespmem:v1+s24+$0x60 ss:$0x1], $0xffff  }
0x3c: {  	v49 =	vld.idx.msk [tilespmem:v1+s24+$0x70 ss:$0x1], $0xffff;
	[tilespmem:v3+s23+$0x20 ss:$0x1] =	vst.idx.msk $0xffff, v6  }
0x3d: {  	v50 =	vld.idx.msk [tilespmem:v1+s24+$0x100 ss:$0x1], $0xffff;
	[tilespmem:v3+s23+$0x30 ss:$0x1] =	vst.idx.msk $0xffff, v7  }
0x3e: {  	v51 =	vld.idx.msk [tilespmem:v1+s24+$0x110 ss:$0x1], $0xffff;
	[tilespmem:v3+s23+$0x40 ss:$0x1] =	vst.idx.msk $0xffff, v8  }
0x3f: {  	[tilespmem:v3+s23+$0x50 ss:$0x1] =	vst.idx.msk $0xffff, v4;
	v4 =	vld.idx.msk [tilespmem:v1+s24+$0x120 ss:$0x1], $0xffff  }
0x40: {  	[tilespmem:v3+s23+$0x60 ss:$0x1] =	vst.idx.msk $0xffff, v5;
	v5 =	vld.idx.msk [tilespmem:v1+s24+$0x130 ss:$0x1], $0xffff  }
0x41: {  	v52 =	vld.idx.msk [tilespmem:v1+s24+$0x140 ss:$0x1], $0xffff;
	[tilespmem:v3+s23+$0x70 ss:$0x1] =	vst.idx.msk $0xffff, v49  }
0x42: {  	v53 =	vld.idx.msk [tilespmem:v1+s24+$0x150 ss:$0x1], $0xffff;
	[tilespmem:v0+s25+$0x400 ss:$0x1] =	vst.idx.msk $0xffff, v50  }
0x43: {  	v54 =	vld.idx.msk [tilespmem:v1+s24+$0x160 ss:$0x1], $0xffff;
	[tilespmem:v3+s23+$0x410 ss:$0x1] =	vst.idx.msk $0xffff, v51  }
0x44: {  	[tilespmem:v3+s23+$0x420 ss:$0x1] =	vst.idx.msk $0xffff, v4;
	v4 =	vld.idx.msk [tilespmem:v1+s24+$0x170 ss:$0x1], $0xffff  }
0x45: {  	[tilespmem:v3+s23+$0x430 ss:$0x1] =	vst.idx.msk $0xffff, v5;
	v5 =	vld.idx.msk [tilespmem:v1+s24+$0x200 ss:$0x1], $0xffff  }
0x46: {  	v55 =	vld.idx.msk [tilespmem:v1+s24+$0x210 ss:$0x1], $0xffff;
	[tilespmem:v3+s23+$0x440 ss:$0x1] =	vst.idx.msk $0xffff, v52  }
0x47: {  	v56 =	vld.idx.msk [tilespmem:v1+s24+$0x220 ss:$0x1], $0xffff;
	[tilespmem:v3+s23+$0x450 ss:$0x1] =	vst.idx.msk $0xffff, v53  }
0x48: {  	v57 =	vld.idx.msk [tilespmem:v1+s24+$0x230 ss:$0x1], $0xffff;
	[tilespmem:v3+s23+$0x460 ss:$0x1] =	vst.idx.msk $0xffff, v54  }
0x49: {  	[tilespmem:v3+s23+$0x470 ss:$0x1] =	vst.idx.msk $0xffff, v4;
	v4 =	vld.idx.msk [tilespmem:v1+s24+$0x240 ss:$0x1], $0xffff  }
0x4a: {  	[tilespmem:v0+s25+$0x800 ss:$0x1] =	vst.idx.msk $0xffff, v5;
	v5 =	vld.idx.msk [tilespmem:v1+s24+$0x250 ss:$0x1], $0xffff  }
0x4b: {  	v58 =	vld.idx.msk [tilespmem:v1+s24+$0x260 ss:$0x1], $0xffff;
	[tilespmem:v3+s23+$0x810 ss:$0x1] =	vst.idx.msk $0xffff, v55  }
0x4c: {  	v59 =	vld.idx.msk [tilespmem:v1+s24+$0x270 ss:$0x1], $0xffff;
	[tilespmem:v3+s23+$0x820 ss:$0x1] =	vst.idx.msk $0xffff, v56  }
0x4d: {  	v60 =	vld.idx.msk [tilespmem:v1+s24+$0x300 ss:$0x1], $0xffff;
	[tilespmem:v3+s23+$0x830 ss:$0x1] =	vst.idx.msk $0xffff, v57  }
0x4e: {  	[tilespmem:v3+s23+$0x840 ss:$0x1] =	vst.idx.msk $0xffff, v4;
	v4 =	vld.idx.msk [tilespmem:v1+s24+$0x310 ss:$0x1], $0xffff  }
0x4f: {  	[tilespmem:v3+s23+$0x850 ss:$0x1] =	vst.idx.msk $0xffff, v5;
	v5 =	vld.idx.msk [tilespmem:v1+s24+$0x320 ss:$0x1], $0xffff  }
0x50: {  	v61 =	vld.idx.msk [tilespmem:v1+s24+$0x330 ss:$0x1], $0xffff;
	[tilespmem:v3+s23+$0x860 ss:$0x1] =	vst.idx.msk $0xffff, v58  }
0x51: {  	v62 =	vld.idx.msk [tilespmem:v1+s24+$0x340 ss:$0x1], $0xffff;
	[tilespmem:v3+s23+$0x870 ss:$0x1] =	vst.idx.msk $0xffff, v59  }
0x52: {  	v63 =	vld.idx.msk [tilespmem:v1+s24+$0x350 ss:$0x1], $0xffff;
	[tilespmem:v0+s25+$0xC00 ss:$0x1] =	vst.idx.msk $0xffff, v60  }
0x53: {  	[tilespmem:v3+s23+$0xC10 ss:$0x1] =	vst.idx.msk $0xffff, v4;
	v4 =	vld.idx.msk [tilespmem:v1+s24+$0x360 ss:$0x1], $0xffff  }
0x54: {  	p2 =	por p1, p1;
	[tilespmem:v3+s23+$0xC20 ss:$0x1] =	vst.idx.msk $0xffff, v5;
	v5 =	vld.idx.msk [tilespmem:v1+s24+$0x370 ss:$0x1], $0xffff  }
.Ltmp3:
0x55: {  	[tilespmem:v3+s23+$0xC30 ss:$0x1] =	vst.idx.msk $0xffff, v61;
	(pc) =	sbr.rel @p2 .LBB1_5-.Ltmp3, $4  }
0x56: {  	[tilespmem:v3+s23+$0xC40 ss:$0x1] =	vst.idx.msk $0xffff, v62  }
0x57: {  	[tilespmem:v3+s23+$0xC50 ss:$0x1] =	vst.idx.msk $0xffff, v63  }
0x58: {  	[tilespmem:v3+s23+$0xC60 ss:$0x1] =	vst.idx.msk $0xffff, v4  }
0x59: {  	p1 =	por $0x0, $0x0;
	[tilespmem:v3+s23+$0xC70 ss:$0x1] =	vst.idx.msk $0xffff, v5;
	s23 =	simm.s32 $0x200  }
.Ltmp4:
0x5a: {  	(pc) =	sbr.rel @p0 .LBB1_4-.Ltmp4, $2  }
0x5b: {  	_ =	sdelay $0x2  }
0x5c: {  	s21 =	simm.s32 $0x1;
	p1 =	por $0x0, $0x0  }
0x5d: {  	s18 =	sadd.s32 $0x1, s18  }
0x5e: {  	p0 =	sne.s32 s18, $0x8  }
.Ltmp5:
0x5f: {  	_ = 	snop;
	(pc) =	sbr.rel @p0 .LBB1_3-.Ltmp5, $1  }
0x60: {  	_ =	sdelay $0x3  }
0x61: {  	s15 =	sshll.u32 s15, $0x7;
	s17 =	sand.u32 $0x78, s12  }
0x62: {  	s18 =	sshll.u32 s12, $0x3;
	s14 =	sshll.u32 s14, $0xC;
	s13 =	sshll.u32 s13, $0xB  }
0x63: {  	s29 =	sand.u32 $0x700, s12;
	s15 =	sand.u32 $0x380, s15;
	s18 =	sand.u32 $0x400, s18  }
.Ltmp6:
0x64: {  	s14 =	sadd.s32 s2, s14;
	s15 =	sor.u32 s15, s17;
	(pc) =	sbr.rel .LBB1_9-.Ltmp6, $4  }
0x65: {  	s30 =	sand.u32 $0x7, s12;
	s13 =	sadd.s32 s13, s14;
	s15 =	sor.u32 s18, s15  }
0x66: {  	s12 =	sshll.u32 s30, $0x12;
	s13 =	sadd.s32 s29, s13;
	s31 =	sshrl.u32 s15, $0x3  }
0x67: {  	s12 =	sor.u32 $0x2000, s12;
	s13 =	sadd.s32 s31, s13  }
0x68: {  	[hbm4b:s13+s12] =	stream.strided.scatter [tilespmem:s16], [sflag:$0x2], $0x4000, s6, s12, $0x38;
	[tilespmem:$0x10000] =	vst v63  }
.LBB1_10:
0x69: {  	_ =	sfence.sel $0x180000  }
0x6a: {  	s2 =	simm.s32 $0x1;
	[bflag:$0x0] =	sbarrier.arrive $0xFFFF  }
0x6b: {  	s31 =	simm.s32 $0x2;
	[sflag:s2] =	ssyncpa.u1 $0x1  }
0x6c: {  	[sflag:s31] =	ssyncpa.u1 $0x1  }
0x6d: {  	p0 =	sne.s32 s1, $0x0;
	_ =	strace $0x90000047  }
0x6e: {  	s0 =	sadd.s32 @!p0 $0x100000, s0;
	[bflag:$0x2] =	sbarrier.arrive $0xFFFF  }
0x6f: {  	[sflag:s0] =	ssyncadd.tile.s32 @!p0 $0x1;
	_ =	shalt  }
.Lfunc_end1:
_tile_overlayer_lowered:
.L_overlay_start_2:
0x70: {  	(tag) =	ssettag $0x2  }
0x71: {  	s0 =	rddreg [dreg:$0x0];
	s2 =	stileid.u32  }
0x72: {  	s1 =	rddreg [dreg:$0x1];
	p0 =	sne.s32 s2, $0x0  }
0x73: {  	s3 =	rddreg [dreg:$0x2];
	[bflag:$0x3] =	sbarrier.arrive $0xFFFF;
	s2 =	simm.s32 @!p0 $0x1C01  }
0x74: {  	[timem:s3], [sflag:s2] =	dma.local @!p0 [hbm:s0], s1  }
0x75: {  	s0 =	simm.s32 @!p0 $0x1  }
0x76: {  	_ =	swait.ge @!p0 [sflag:s0], s1  }
0x77: {  	s1 =	ssub.s32 @!p0 $0x0, s1;
	[sflag:s0] =	ssyncset.done @!p0 $0x0  }
0x78: {  	[sflag:s0] =	ssyncadd.s32 @!p0 s1  }
0x79: {  	[bflag:$0x3] =	sbarrier.arrive $0xFFFF  }
0x7a: {  	_ =	shalt  }

</sc_bundles>
